<compile_context>
chip_gen: v7x
topology: tpu7x:2x2x1
jax: 0.10.2.dev20260603
libtpu: 0.0.44.dev20260713+nightly
codegen_flags: <defaults>
</compile_context>

<pallas_src>
import functools

import jax
import jax.numpy as jnp
from jax import lax
from jax.experimental import pallas as pl
from jax.experimental.pallas import tpu as pltpu
from jax.experimental.pallas import tpu_sc as plsc

K = 8192
D = 32
N = 8192
RB = 256
KB = 2048
LT = 128
NLT = KB // LT
NSTEPS = N // RB
NKC = K // KB

NC = 2
NS = 16
NW = NC * NS
BPW = N // NW


def _bf16_round(x):
    b = lax.bitcast_convert_type(x, jnp.uint32)
    b = (b + 0x7FFF + ((b >> 16) & 1)) & jnp.uint32(0xFFFF0000)
    return lax.bitcast_convert_type(b, jnp.float32)


def _tc_body(z_ref, e_ref, m_ref, idx_ref, loss_ref, esq_ref, acc_ref):
    step = pl.program_id(0)

    @pl.when(step == 0)
    def _init():
        e_all = e_ref[...]
        esq_ref[...] = jnp.sum(e_all * e_all, axis=1)
        acc_ref[...] = jnp.zeros((2, RB), dtype=jnp.float32)

    z = z_ref[...]
    zsq = jnp.sum(z * z, axis=1)
    zm2 = _bf16_round(z * (-2.0)).astype(jnp.bfloat16)

    lane = lax.broadcasted_iota(jnp.int32, (RB, LT), 1)

    def chunk(j, carry):
        acc_cmp, acc_exact, acc_idx = carry
        e = e_ref[pl.ds(j * KB, KB), :]
        esq = esq_ref[pl.ds(j * KB, KB)]
        m2 = lax.dot_general(zm2, e, (((1,), (1,)), ((), ())),
                             preferred_element_type=jnp.float32)
        groups = []
        for g in range(4):
            gmin = gidx = None
            for t in range(4 * g, 4 * g + 4):
                sl = slice(t * LT, (t + 1) * LT)
                d_t = (zsq[:, None] + esq[None, sl]) + m2[:, sl]
                if gmin is None:
                    gmin, gidx = d_t, lane + (t * LT)
                else:
                    lt_m = d_t < gmin
                    gmin = jnp.where(lt_m, d_t, gmin)
                    gidx = jnp.where(lt_m, lane + (t * LT), gidx)
            groups.append((gmin, gidx))
        vmin, vidx = groups[0]
        for gmin, gidx in groups[1:]:
            lt_m = gmin < vmin
            vmin = jnp.where(lt_m, gmin, vmin)
            vidx = jnp.where(lt_m, gidx, vidx)
        v = jnp.min(vmin, axis=1)
        i = jnp.min(jnp.where(vmin == v[:, None], vidx, K), axis=1) + j * KB
        keep = (acc_cmp < v) | ((acc_cmp == v) & (acc_idx < i))
        acc_idx = jnp.where(keep, acc_idx, i)
        acc_exact = jnp.where(keep, acc_exact, v)
        acc_cmp = _bf16_round(jnp.where(keep, acc_cmp, v))
        return (acc_cmp, acc_exact, acc_idx)

    inf = jnp.full((RB,), jnp.inf, dtype=jnp.float32)
    zero = jnp.zeros((RB,), dtype=jnp.int32)
    _, runmin, runidx = lax.fori_loop(0, NKC, chunk, (inf, inf, zero))

    idx_ref[0, 0, :] = runidx
    msk = m_ref[0, 0, :]
    acc_ref[0, :] += msk * runmin
    acc_ref[1, :] += msk

    @pl.when(step == NSTEPS - 1)
    def _finalize():
        se_sum = jnp.sum(acc_ref[0, :]) / jnp.float32(D)
        msum = jnp.sum(acc_ref[1, :])
        loss_ref[0, 0] = 1.25 * (se_sum / jnp.maximum(msum, 1.0))


@functools.cache
def _make_tc_call():
    return pl.pallas_call(
        _tc_body,
        grid=(NSTEPS,),
        in_specs=[
            pl.BlockSpec((RB, D), lambda i: (i, 0)),
            pl.BlockSpec((K, D), lambda i: (0, 0)),
            pl.BlockSpec((1, 1, RB), lambda i: (i, 0, 0)),
        ],
        out_specs=[
            pl.BlockSpec((1, 1, RB), lambda i: (i, 0, 0)),
            pl.BlockSpec(memory_space=pltpu.SMEM),
        ],
        out_shape=[
            jax.ShapeDtypeStruct((NSTEPS, 1, RB), jnp.int32),
            jax.ShapeDtypeStruct((1, 1), jnp.float32),
        ],
        scratch_shapes=[
            pltpu.VMEM((K,), jnp.float32),
            pltpu.VMEM((2, RB), jnp.float32),
        ],
    )


def _sc_body(table_hbm, idx_hbm, z_hbm, out_hbm, idx_v, q_v, z_v, sem):
    wid = lax.axis_index("s") * NC + lax.axis_index("c")
    base = wid * BPW
    pltpu.sync_copy(idx_hbm.at[pl.ds(base, BPW)], idx_v)
    gather = pltpu.async_copy(table_hbm.at[idx_v], q_v, sem)
    pltpu.sync_copy(z_hbm.at[pl.ds(base, BPW)], z_v)
    gather.wait()

    def row(i, _):
        for h in range(D // 16):
            sl = pl.ds(h * 16, 16)
            q = q_v[i, sl]
            zz = z_v[i, sl]
            q_v[i, sl] = zz + (q - zz)
        return 0

    lax.fori_loop(0, BPW, row, 0)
    pltpu.sync_copy(q_v, out_hbm.at[pl.ds(base, BPW)])


@functools.cache
def _make_sc_call():
    return pl.kernel(
        _sc_body,
        mesh=plsc.VectorSubcoreMesh(core_axis_name="c", subcore_axis_name="s"),
        out_type=jax.ShapeDtypeStruct((N, D), jnp.float32),
        scratch_types=[
            pltpu.VMEM((BPW,), jnp.int32),
            pltpu.VMEM((BPW, D), jnp.float32),
            pltpu.VMEM((BPW, D), jnp.float32),
            pltpu.SemaphoreType.DMA,
        ],
        compiler_params=pltpu.CompilerParams(use_tc_tiling_on_sc=False),
    )


def kernel(z, mask, embeddings):
    orig_shape = z.shape
    z_flat = z.reshape(N, D)
    mask3 = mask.reshape(NSTEPS, 1, RB)
    idx3, loss11 = _make_tc_call()(z_flat, embeddings, mask3)
    idx_flat = idx3.reshape(N)
    out_flat = _make_sc_call()(embeddings, idx_flat, z_flat)
    quantized_st = out_flat.reshape(orig_shape)
    quantized_indices = idx_flat.reshape(orig_shape[:-1])
    loss = loss11[0, 0]
    return quantized_st, quantized_indices, loss

# --- scband reference (transcript-rebuilt; emitter-appended) ---
"""Pipeline reference for scband-quantizer-20169166422747 (READ-ONLY COPY).

The authoritative reference and input builder live on the scoring server;
editing this copy changes nothing except your own understanding.
"""

import jax, jax.numpy as jnp
import numpy as np

N_EMBEDDINGS = 8192
EMBEDDING_DIM = 32
COMMITMENT_LOSS_FACTOR = 0.25
QUANTIZATION_LOSS_FACTOR = 1.0


def temporal_mse_loss(pred, target, mask):
    # per-timestep MSE over feature dim, masked average over (B, T)
    se = jnp.mean((pred - target) ** 2, axis=-1)  # [B, T]
    return jnp.sum(se * mask) / jnp.maximum(jnp.sum(mask), 1.0)


def setup_inputs(seed: int = 0) -> dict:
    key = jax.random.key(seed)
    k1, k2 = jax.random.split(key)
    z = jax.random.normal(k1, (8, 1024, EMBEDDING_DIM), dtype=jnp.float32)
    mask = jnp.ones((8, 1024), dtype=jnp.float32)
    embeddings = jax.random.uniform(
        k2, (N_EMBEDDINGS, EMBEDDING_DIM), dtype=jnp.float32,
        minval=-1.0 / N_EMBEDDINGS, maxval=1.0 / N_EMBEDDINGS)
    return {"z": z, "mask": mask, "embeddings": embeddings}


def reference(z, mask, embeddings):
    original_shape = z.shape
    z_flat = z.reshape(-1, z.shape[-1])  # [B*T, D]
    distances = (jnp.sum(z_flat ** 2, axis=1, keepdims=True)
                 + jnp.sum(embeddings ** 2, axis=1)
                 - 2.0 * jnp.matmul(z_flat, embeddings.T))  # [B*T, K]
    encoding_indices = jnp.argmin(distances, axis=1)  # [B*T]
    quantized_flat = jnp.take(embeddings, encoding_indices, axis=0)
    quantized = quantized_flat.reshape(original_shape)
    embedding_loss = temporal_mse_loss(quantized, jax.lax.stop_gradient(z), mask)
    commitment_loss = temporal_mse_loss(z, jax.lax.stop_gradient(quantized), mask)
    loss = QUANTIZATION_LOSS_FACTOR * embedding_loss + COMMITMENT_LOSS_FACTOR * commitment_loss
    quantized_st = z + jax.lax.stop_gradient(quantized - z)
    quantized_indices = encoding_indices.reshape(original_shape[:-1])
    return quantized_st, quantized_indices, loss

if __name__ == "__main__":
    import jax
    _d = setup_inputs()
    print(jax.jit(kernel)(*tuple(_d.values())))

</pallas_src>

<mosaic_0001>
#map = affine_map<(d0, d1) -> (0, 0)>
#map1 = affine_map<(d0, d1) -> (0)>
module attributes {stable_mosaic.version = 14 : i64} {
  func.func @_sc_body(%arg0: i32, %arg1: i32, %arg2: memref<8192x32xf32, #tpu.memory_space<hbm>>, %arg3: memref<8192xi32, #tpu.memory_space<hbm>>, %arg4: memref<8192x32xf32, #tpu.memory_space<hbm>>, %arg5: memref<8192x32xf32, #tpu.memory_space<hbm>>, %arg6: memref<256xi32, #tpu.memory_space<vmem>>, %arg7: memref<256x32xf32, #tpu.memory_space<vmem>>, %arg8: memref<256x32xf32, #tpu.memory_space<vmem>>, %arg9: memref<!tpu.dma_semaphore, #tpu.memory_space<semaphore_mem>>) attributes {dimension_semantics = [#tpu.dimension_semantics<core_parallel>, #tpu.dimension_semantics<subcore_parallel>], iteration_bounds = array<i64: 2, 16>, scalar_prefetch = 0 : i64, scratch_operands = 4 : i64, tpu.core_type = #tpu.core_type<sc_vector_subcore>, window_params = [{transform_indices = #map}, {transform_indices = #map1}, {transform_indices = #map}, {transform_indices = #map}]} {
    %mul3A = arith.constant 2 : i32
    %mul3A_0 = arith.muli %arg1, %mul3A : i32
    %add3A = arith.addi %mul3A_0, %arg0 : i32
    %mul3A_1 = arith.constant 256 : i32
    %mul3A_2 = arith.muli %add3A, %mul3A_1 : i32
    "tpu.region"() ({
      %run_scoped3A = tpu.sem_alloc : memref<!tpu.dma_semaphore, #tpu.memory_space<semaphore_mem>>
      %dma_start3A_13 = tpu.memref_slice %arg3[%mul3A_2] : memref<8192xi32, #tpu.memory_space<hbm>> -> memref<256xi32, #tpu.memory_space<hbm>>
      %dma_start3A_14 = tpu.memref_slice %arg3[%mul3A_2] : memref<8192xi32, #tpu.memory_space<hbm>> -> memref<256xi32, #tpu.memory_space<hbm>>
      tpu.enqueue_dma source(%dma_start3A_14 : memref<256xi32, #tpu.memory_space<hbm>>) target(%arg6 : memref<256xi32, #tpu.memory_space<vmem>>) target_semaphore(%run_scoped3A : memref<!tpu.dma_semaphore, #tpu.memory_space<semaphore_mem>>)
      %dma_wait3A_15 = tpu.memref_slice %arg3[%mul3A_2] : memref<8192xi32, #tpu.memory_space<hbm>> -> memref<256xi32, #tpu.memory_space<hbm>>
      %dma_wait3A_16 = tpu.memref_slice %arg3[%mul3A_2] : memref<8192xi32, #tpu.memory_space<hbm>> -> memref<256xi32, #tpu.memory_space<hbm>>
      tpu.wait_dma2 semaphore(%run_scoped3A : memref<!tpu.dma_semaphore, #tpu.memory_space<semaphore_mem>>) src(%dma_wait3A_16 : memref<256xi32, #tpu.memory_space<hbm>>) dst(%arg6 : memref<256xi32, #tpu.memory_space<vmem>>)
      tpu.yield
    }) : () -> ()
    %dma_start3A = arith.constant 0 : i32
    %dma_start3A_3 = arith.constant 0 : i32
    %dma_start3A_4 = tpu.memref_slice %arg2[%dma_start3A, %dma_start3A_3] : memref<8192x32xf32, #tpu.memory_space<hbm>> -> memref<8192x32xf32, #tpu.memory_space<hbm>>
    tpu.enqueue_indirect_dma source(%dma_start3A_4 : memref<8192x32xf32, #tpu.memory_space<hbm>>) target(%arg7 : memref<256x32xf32, #tpu.memory_space<vmem>>) offsets(%arg6 : memref<256xi32, #tpu.memory_space<vmem>>) semaphore(%arg9 : memref<!tpu.dma_semaphore, #tpu.memory_space<semaphore_mem>>)
    "tpu.region"() ({
      %run_scoped3A = tpu.sem_alloc : memref<!tpu.dma_semaphore, #tpu.memory_space<semaphore_mem>>
      %dma_start3A_13 = arith.constant 0 : i32
      %dma_start3A_14 = tpu.memref_slice %arg4[%mul3A_2, %dma_start3A_13] : memref<8192x32xf32, #tpu.memory_space<hbm>> -> memref<256x32xf32, #tpu.memory_space<hbm>>
      %dma_start3A_15 = arith.constant 0 : i32
      %dma_start3A_16 = tpu.memref_slice %arg4[%mul3A_2, %dma_start3A_15] : memref<8192x32xf32, #tpu.memory_space<hbm>> -> memref<256x32xf32, #tpu.memory_space<hbm>>
      tpu.enqueue_dma source(%dma_start3A_16 : memref<256x32xf32, #tpu.memory_space<hbm>>) target(%arg8 : memref<256x32xf32, #tpu.memory_space<vmem>>) target_semaphore(%run_scoped3A : memref<!tpu.dma_semaphore, #tpu.memory_space<semaphore_mem>>)
      %dma_wait3A_17 = arith.constant 0 : i32
      %dma_wait3A_18 = tpu.memref_slice %arg4[%mul3A_2, %dma_wait3A_17] : memref<8192x32xf32, #tpu.memory_space<hbm>> -> memref<256x32xf32, #tpu.memory_space<hbm>>
      %dma_wait3A_19 = arith.constant 0 : i32
      %dma_wait3A_20 = tpu.memref_slice %arg4[%mul3A_2, %dma_wait3A_19] : memref<8192x32xf32, #tpu.memory_space<hbm>> -> memref<256x32xf32, #tpu.memory_space<hbm>>
      tpu.wait_dma2 semaphore(%run_scoped3A : memref<!tpu.dma_semaphore, #tpu.memory_space<semaphore_mem>>) src(%dma_wait3A_20 : memref<256x32xf32, #tpu.memory_space<hbm>>) dst(%arg8 : memref<256x32xf32, #tpu.memory_space<vmem>>)
      tpu.yield
    }) : () -> ()
    %dma_wait3A = arith.constant 0 : i32
    %dma_wait3A_5 = arith.constant 0 : i32
    %dma_wait3A_6 = tpu.memref_slice %arg2[%dma_wait3A, %dma_wait3A_5] : memref<8192x32xf32, #tpu.memory_space<hbm>> -> memref<8192x32xf32, #tpu.memory_space<hbm>>
    tpu.wait_indirect_dma semaphore(%arg9 : memref<!tpu.dma_semaphore, #tpu.memory_space<semaphore_mem>>) src(%dma_wait3A_6 : memref<8192x32xf32, #tpu.memory_space<hbm>>) dst(%arg7 : memref<256x32xf32, #tpu.memory_space<vmem>>)
    %scan3A = arith.constant 0 : i32
    %scan3A_7 = arith.constant 0 : i32
    %scan3A_8 = arith.constant 256 : i32
    %scan3A_9 = arith.addi %scan3A_7, %scan3A_8 : i32
    %scan3A_10 = arith.constant 1 : i32
    %scan3A_11 = scf.for %scan3A_13 = %scan3A_7 to %scan3A_9 step %scan3A_10 iter_args(%scan3A_14 = %scan3A) -> (i32)  : i32 {
      %get3A = arith.index_cast %scan3A_13 : i32 to index
      %get3A_15 = arith.constant 0 : index
      %get3A_16 = tpu.vector_load %arg7[%get3A, %get3A_15] {strides = array<i32>} : memref<256x32xf32, #tpu.memory_space<vmem>>, vector<1x16xf32>,
      %get3A_17 = vector.shape_cast %get3A_16 : vector<1x16xf32> to vector<16xf32>
      %get3A_18 = arith.index_cast %scan3A_13 : i32 to index
      %get3A_19 = arith.constant 0 : index
      %get3A_20 = tpu.vector_load %arg8[%get3A_18, %get3A_19] {strides = array<i32>} : memref<256x32xf32, #tpu.memory_space<vmem>>, vector<1x16xf32>,
      %get3A_21 = vector.shape_cast %get3A_20 : vector<1x16xf32> to vector<16xf32>
      %sub3A = arith.subf %get3A_17, %get3A_21 : vector<16xf32>
      %add3A_22 = arith.addf %get3A_21, %sub3A : vector<16xf32>
      %swap3A = arith.index_cast %scan3A_13 : i32 to index
      %swap3A_23 = arith.constant 0 : index
      %swap3A_24 = tpu.vector_load %arg7[%swap3A, %swap3A_23] {strides = array<i32>} : memref<256x32xf32, #tpu.memory_space<vmem>>, vector<1x16xf32>,
      %swap3A_25 = vector.shape_cast %swap3A_24 : vector<1x16xf32> to vector<16xf32>
      %swap3A_26 = vector.shape_cast %add3A_22 : vector<16xf32> to vector<1x16xf32>
      tpu.vector_store %arg7[%swap3A, %swap3A_23], %swap3A_26 {strides = array<i32>} : memref<256x32xf32, #tpu.memory_space<vmem>>, vector<1x16xf32>,
      %get3A_27 = arith.index_cast %scan3A_13 : i32 to index
      %get3A_28 = arith.constant 16 : index
      %get3A_29 = tpu.vector_load %arg7[%get3A_27, %get3A_28] {strides = array<i32>} : memref<256x32xf32, #tpu.memory_space<vmem>>, vector<1x16xf32>,
      %get3A_30 = vector.shape_cast %get3A_29 : vector<1x16xf32> to vector<16xf32>
      %get3A_31 = arith.index_cast %scan3A_13 : i32 to index
      %get3A_32 = arith.constant 16 : index
      %get3A_33 = tpu.vector_load %arg8[%get3A_31, %get3A_32] {strides = array<i32>} : memref<256x32xf32, #tpu.memory_space<vmem>>, vector<1x16xf32>,
      %get3A_34 = vector.shape_cast %get3A_33 : vector<1x16xf32> to vector<16xf32>
      %sub3A_35 = arith.subf %get3A_30, %get3A_34 : vector<16xf32>
      %add3A_36 = arith.addf %get3A_34, %sub3A_35 : vector<16xf32>
      %swap3A_37 = arith.index_cast %scan3A_13 : i32 to index
      %swap3A_38 = arith.constant 16 : index
      %swap3A_39 = tpu.vector_load %arg7[%swap3A_37, %swap3A_38] {strides = array<i32>} : memref<256x32xf32, #tpu.memory_space<vmem>>, vector<1x16xf32>,
      %swap3A_40 = vector.shape_cast %swap3A_39 : vector<1x16xf32> to vector<16xf32>
      %swap3A_41 = vector.shape_cast %add3A_36 : vector<16xf32> to vector<1x16xf32>
      tpu.vector_store %arg7[%swap3A_37, %swap3A_38], %swap3A_41 {strides = array<i32>} : memref<256x32xf32, #tpu.memory_space<vmem>>, vector<1x16xf32>,
      %scan3A_42 = arith.constant 0 : i32
      scf.yield %scan3A_42 : i32
    }
    %scan3A_12 = arith.constant 256 : i32
    "tpu.region"() ({
      %run_scoped3A = tpu.sem_alloc : memref<!tpu.dma_semaphore, #tpu.memory_space<semaphore_mem>>
      %dma_start3A_13 = arith.constant 0 : i32
      %dma_start3A_14 = tpu.memref_slice %arg5[%mul3A_2, %dma_start3A_13] : memref<8192x32xf32, #tpu.memory_space<hbm>> -> memref<256x32xf32, #tpu.memory_space<hbm>>
      %dma_start3A_15 = arith.constant 0 : i32
      %dma_start3A_16 = tpu.memref_slice %arg5[%mul3A_2, %dma_start3A_15] : memref<8192x32xf32, #tpu.memory_space<hbm>> -> memref<256x32xf32, #tpu.memory_space<hbm>>
      tpu.enqueue_dma source(%arg7 : memref<256x32xf32, #tpu.memory_space<vmem>>) target(%dma_start3A_16 : memref<256x32xf32, #tpu.memory_space<hbm>>) target_semaphore(%run_scoped3A : memref<!tpu.dma_semaphore, #tpu.memory_space<semaphore_mem>>)
      %dma_wait3A_17 = arith.constant 0 : i32
      %dma_wait3A_18 = tpu.memref_slice %arg5[%mul3A_2, %dma_wait3A_17] : memref<8192x32xf32, #tpu.memory_space<hbm>> -> memref<256x32xf32, #tpu.memory_space<hbm>>
      %dma_wait3A_19 = arith.constant 0 : i32
      %dma_wait3A_20 = tpu.memref_slice %arg5[%mul3A_2, %dma_wait3A_19] : memref<8192x32xf32, #tpu.memory_space<hbm>> -> memref<256x32xf32, #tpu.memory_space<hbm>>
      tpu.wait_dma2 semaphore(%run_scoped3A : memref<!tpu.dma_semaphore, #tpu.memory_space<semaphore_mem>>) src(%arg7 : memref<256x32xf32, #tpu.memory_space<vmem>>) dst(%dma_wait3A_20 : memref<256x32xf32, #tpu.memory_space<hbm>>)
      tpu.yield
    }) : () -> ()
    return
  }
}

module attributes {stable_mosaic.version = 14 : i64} {
  func.func @_tc_body(%arg0: i32, %arg1: memref<256x32xf32, #tpu.memory_space<vmem>>, %arg2: memref<8192x32xf32, #tpu.memory_space<vmem>>, %arg3: memref<1x1x256xf32, #tpu.memory_space<vmem>>, %arg4: memref<1x1x256xi32, #tpu.memory_space<vmem>>, %arg5: memref<1x1xf32, #tpu.memory_space<smem>>, %arg6: memref<8192xf32, #tpu.memory_space<vmem>>, %arg7: memref<2x256xf32, #tpu.memory_space<vmem>>) attributes {dimension_semantics = [#tpu.dimension_semantics<arbitrary>], iteration_bounds = array<i64: 32>, scalar_prefetch = 0 : i64, scratch_operands = 2 : i64, tpu.core_type = #tpu.core_type<tc>, window_params = [{transform_indices = @transform_0, window_bounds = array<i64: 256, 32>}, {pipeline_mode = #tpu.pipeline_mode<synchronous>, transform_indices = @transform_1, window_bounds = array<i64: 8192, 32>}, {transform_indices = @transform_2, window_bounds = array<i64: 1, 1, 256>}, {transform_indices = @transform_3, window_bounds = array<i64: 1, 1, 256>}, {transform_indices = @transform_4, window_bounds = array<i64: 1, 1>}]} {
    %eq3A = arith.constant 0 : i32
    %eq3A_0 = arith.cmpi eq, %arg0, %eq3A : i32
    %convert_element_type3A = arith.extui %eq3A_0 : i1 to i32
    %cond3A = arith.constant 0 : i32
    %cond3A_1 = arith.cmpi ne, %convert_element_type3A, %cond3A : i32
    scf.if %cond3A_1 {
      %get3A_64 = arith.constant 0 : index
      %get3A_65 = arith.constant 0 : index
      %get3A_66 = vector.load %arg2[%get3A_64, %get3A_65] : memref<8192x32xf32, #tpu.memory_space<vmem>>, vector<8192x32xf32>
      %mul3A_67 = arith.mulf %get3A_66, %get3A_66 : vector<8192x32xf32>
      %reduce_sum3A_68 = arith.constant dense<0.000000e+00> : vector<8192xf32>
      %reduce_sum3A_69 = vector.multi_reduction <add>, %mul3A_67, %reduce_sum3A_68 [1] : vector<8192x32xf32> to vector<8192xf32>
      %swap3A_70 = arith.constant 0 : index
      %swap3A_71 = vector.load %arg6[%swap3A_70] : memref<8192xf32, #tpu.memory_space<vmem>>, vector<8192xf32>
      tpu.vector_store %arg6[%swap3A_70], %reduce_sum3A_69 {strides = array<i32>} : memref<8192xf32, #tpu.memory_space<vmem>>, vector<8192xf32>,
      %broadcast_in_dim3A_72 = arith.constant 0.000000e+00 : f32
      %broadcast_in_dim3A_73 = vector.broadcast %broadcast_in_dim3A_72 : f32 to vector<2x256xf32>
      %swap3A_74 = arith.constant 0 : index
      %swap3A_75 = arith.constant 0 : index
      %swap3A_76 = vector.load %arg7[%swap3A_74, %swap3A_75] : memref<2x256xf32, #tpu.memory_space<vmem>>, vector<2x256xf32>
      tpu.vector_store %arg7[%swap3A_74, %swap3A_75], %broadcast_in_dim3A_73 {strides = array<i32>} : memref<2x256xf32, #tpu.memory_space<vmem>>, vector<2x256xf32>,
    } else {
    }
    %get3A = arith.constant 0 : index
    %get3A_2 = arith.constant 0 : index
    %get3A_3 = vector.load %arg1[%get3A, %get3A_2] : memref<256x32xf32, #tpu.memory_space<vmem>>, vector<256x32xf32>
    %mul3A = arith.mulf %get3A_3, %get3A_3 : vector<256x32xf32>
    %reduce_sum3A = arith.constant dense<0.000000e+00> : vector<256xf32>
    %reduce_sum3A_4 = vector.multi_reduction <add>, %mul3A, %reduce_sum3A [1] : vector<256x32xf32> to vector<256xf32>
    %mul3A_5 = arith.constant -2.000000e+00 : f32
    %mul3A_6 = vector.broadcast %mul3A_5 : f32 to vector<256x32xf32>
    %mul3A_7 = arith.mulf %get3A_3, %mul3A_6 : vector<256x32xf32>
    %bitcast_convert_type3A = tpu.bitcast %mul3A_7 : vector<256x32xf32> -> vector<256x32xi32>
    %add3A = arith.constant 32767 : i32
    %add3A_8 = vector.broadcast %add3A : i32 to vector<256x32xi32>
    %add3A_9 = arith.addi %bitcast_convert_type3A, %add3A_8 : vector<256x32xi32>
    %shift_right_logical3A = arith.constant 16 : i32
    %shift_right_logical3A_10 = vector.broadcast %shift_right_logical3A : i32 to vector<256x32xi32>
    %shift_right_logical3A_11 = arith.shrui %bitcast_convert_type3A, %shift_right_logical3A_10 : vector<256x32xi32>
    %and3A = arith.constant 1 : i32
    %and3A_12 = vector.broadcast %and3A : i32 to vector<256x32xi32>
    %and3A_13 = arith.andi %shift_right_logical3A_11, %and3A_12 : vector<256x32xi32>
    %add3A_14 = arith.addi %add3A_9, %and3A_13 : vector<256x32xi32>
    %and3A_15 = arith.constant -65536 : i32
    %and3A_16 = vector.broadcast %and3A_15 : i32 to vector<256x32xi32>
    %and3A_17 = arith.andi %add3A_14, %and3A_16 : vector<256x32xi32>
    %bitcast_convert_type3A_18 = tpu.bitcast %and3A_17 : vector<256x32xi32> -> vector<256x32xf32>
    %convert_element_type3A_19 = arith.truncf %bitcast_convert_type3A_18 : vector<256x32xf32> to vector<256x32xbf16>
    %iota3A = tpu.iota {dimensions = array<i32: 1>} : vector<256x128xi32>
    %broadcast_in_dim3A = arith.constant 0x7F800000 : f32
    %broadcast_in_dim3A_20 = vector.broadcast %broadcast_in_dim3A : f32 to vector<256xf32>
    %broadcast_in_dim3A_21 = arith.constant 0 : i32
    %broadcast_in_dim3A_22 = vector.broadcast %broadcast_in_dim3A_21 : i32 to vector<256xi32>
    %scan3A = arith.constant 0 : i32
    %scan3A_23 = arith.constant 4 : i32
    %scan3A_24 = arith.addi %scan3A, %scan3A_23 : i32
    %scan3A_25 = arith.constant 1 : i32
    %scan3A_26:3 = scf.for %scan3A_64 = %scan3A to %scan3A_24 step %scan3A_25 iter_args(%scan3A_65 = %broadcast_in_dim3A_20, %scan3A_66 = %broadcast_in_dim3A_20, %scan3A_67 = %broadcast_in_dim3A_22) -> (vector<256xf32>, vector<256xf32>, vector<256xi32>)  : i32 {
      %mul3A_68 = arith.constant 2048 : i32
      %mul3A_69 = arith.muli %scan3A_64, %mul3A_68 : i32
      %get3A_70 = arith.index_cast %mul3A_69 : i32 to index
      %get3A_71 = arith.constant 0 : index
      %get3A_72 = vector.load %arg2[%get3A_70, %get3A_71] : memref<8192x32xf32, #tpu.memory_space<vmem>>, vector<2048x32xf32>
      %mul3A_73 = arith.constant 2048 : i32
      %mul3A_74 = arith.muli %scan3A_64, %mul3A_73 : i32
      %get3A_75 = arith.index_cast %mul3A_74 : i32 to index
      %get3A_76 = vector.load %arg6[%get3A_75] : memref<8192xf32, #tpu.memory_space<vmem>>, vector<2048xf32>
      %dot_general3A = arith.constant dense<0.000000e+00> : vector<256x2048xf32>
      %dot_general3A_77 = tpu.matmul %convert_element_type3A_19, %get3A_72, %dot_general3A {dimension_numbers = #tpu.dot_dimension_numbers<[1], [1], [0], [0], [0, 0, 1, 0], [], []>, transpose_lhs_hint = false} : vector<256x32xbf16>, vector<2048x32xf32>, vector<256x2048xf32> -> vector<256x2048xf32>
      %broadcast_in_dim3A_78 = vector.shape_cast %reduce_sum3A_4 : vector<256xf32> to vector<256x1xf32>
      %slice3A = vector.extract_strided_slice %get3A_76 {offsets = [0], sizes = [128], strides = [1]} : vector<2048xf32> to vector<128xf32>
      %broadcast_in_dim3A_79 = vector.shape_cast %slice3A : vector<128xf32> to vector<1x128xf32>
      %add3A_80 = vector.broadcast %broadcast_in_dim3A_78 : vector<256x1xf32> to vector<256x128xf32>
      %add3A_81 = vector.broadcast %broadcast_in_dim3A_79 : vector<1x128xf32> to vector<256x128xf32>
      %add3A_82 = arith.addf %add3A_80, %add3A_81 : vector<256x128xf32>
      %slice3A_83 = vector.extract_strided_slice %dot_general3A_77 {offsets = [0, 0], sizes = [256, 128], strides = [1, 1]} : vector<256x2048xf32> to vector<256x128xf32>
      %add3A_84 = arith.addf %add3A_82, %slice3A_83 : vector<256x128xf32>
      %add3A_85 = arith.constant 0 : i32
      %add3A_86 = vector.broadcast %add3A_85 : i32 to vector<256x128xi32>
      %add3A_87 = arith.addi %iota3A, %add3A_86 : vector<256x128xi32>
      %broadcast_in_dim3A_88 = vector.shape_cast %reduce_sum3A_4 : vector<256xf32> to vector<256x1xf32>
      %slice3A_89 = vector.extract_strided_slice %get3A_76 {offsets = [128], sizes = [128], strides = [1]} : vector<2048xf32> to vector<128xf32>
      %broadcast_in_dim3A_90 = vector.shape_cast %slice3A_89 : vector<128xf32> to vector<1x128xf32>
      %add3A_91 = vector.broadcast %broadcast_in_dim3A_88 : vector<256x1xf32> to vector<256x128xf32>
      %add3A_92 = vector.broadcast %broadcast_in_dim3A_90 : vector<1x128xf32> to vector<256x128xf32>
      %add3A_93 = arith.addf %add3A_91, %add3A_92 : vector<256x128xf32>
      %slice3A_94 = vector.extract_strided_slice %dot_general3A_77 {offsets = [0, 128], sizes = [256, 128], strides = [1, 1]} : vector<256x2048xf32> to vector<256x128xf32>
      %add3A_95 = arith.addf %add3A_93, %slice3A_94 : vector<256x128xf32>
      %lt3A = arith.cmpf olt, %add3A_95, %add3A_84 : vector<256x128xf32>
      %select_n3A = arith.select %lt3A, %add3A_95, %add3A_84 : vector<256x128xi1>, vector<256x128xf32>
      %add3A_96 = arith.constant 128 : i32
      %add3A_97 = vector.broadcast %add3A_96 : i32 to vector<256x128xi32>
      %add3A_98 = arith.addi %iota3A, %add3A_97 : vector<256x128xi32>
      %select_n3A_99 = arith.select %lt3A, %add3A_98, %add3A_87 : vector<256x128xi1>, vector<256x128xi32>
      %broadcast_in_dim3A_100 = vector.shape_cast %reduce_sum3A_4 : vector<256xf32> to vector<256x1xf32>
      %slice3A_101 = vector.extract_strided_slice %get3A_76 {offsets = [256], sizes = [128], strides = [1]} : vector<2048xf32> to vector<128xf32>
      %broadcast_in_dim3A_102 = vector.shape_cast %slice3A_101 : vector<128xf32> to vector<1x128xf32>
      %add3A_103 = vector.broadcast %broadcast_in_dim3A_100 : vector<256x1xf32> to vector<256x128xf32>
      %add3A_104 = vector.broadcast %broadcast_in_dim3A_102 : vector<1x128xf32> to vector<256x128xf32>
      %add3A_105 = arith.addf %add3A_103, %add3A_104 : vector<256x128xf32>
      %slice3A_106 = vector.extract_strided_slice %dot_general3A_77 {offsets = [0, 256], sizes = [256, 128], strides = [1, 1]} : vector<256x2048xf32> to vector<256x128xf32>
      %add3A_107 = arith.addf %add3A_105, %slice3A_106 : vector<256x128xf32>
      %lt3A_108 = arith.cmpf olt, %add3A_107, %select_n3A : vector<256x128xf32>
      %select_n3A_109 = arith.select %lt3A_108, %add3A_107, %select_n3A : vector<256x128xi1>, vector<256x128xf32>
      %add3A_110 = arith.constant 256 : i32
      %add3A_111 = vector.broadcast %add3A_110 : i32 to vector<256x128xi32>
      %add3A_112 = arith.addi %iota3A, %add3A_111 : vector<256x128xi32>
      %select_n3A_113 = arith.select %lt3A_108, %add3A_112, %select_n3A_99 : vector<256x128xi1>, vector<256x128xi32>
      %broadcast_in_dim3A_114 = vector.shape_cast %reduce_sum3A_4 : vector<256xf32> to vector<256x1xf32>
      %slice3A_115 = vector.extract_strided_slice %get3A_76 {offsets = [384], sizes = [128], strides = [1]} : vector<2048xf32> to vector<128xf32>
      %broadcast_in_dim3A_116 = vector.shape_cast %slice3A_115 : vector<128xf32> to vector<1x128xf32>
      %add3A_117 = vector.broadcast %broadcast_in_dim3A_114 : vector<256x1xf32> to vector<256x128xf32>
      %add3A_118 = vector.broadcast %broadcast_in_dim3A_116 : vector<1x128xf32> to vector<256x128xf32>
      %add3A_119 = arith.addf %add3A_117, %add3A_118 : vector<256x128xf32>
      %slice3A_120 = vector.extract_strided_slice %dot_general3A_77 {offsets = [0, 384], sizes = [256, 128], strides = [1, 1]} : vector<256x2048xf32> to vector<256x128xf32>
      %add3A_121 = arith.addf %add3A_119, %slice3A_120 : vector<256x128xf32>
      %lt3A_122 = arith.cmpf olt, %add3A_121, %select_n3A_109 : vector<256x128xf32>
      %select_n3A_123 = arith.select %lt3A_122, %add3A_121, %select_n3A_109 : vector<256x128xi1>, vector<256x128xf32>
      %add3A_124 = arith.constant 384 : i32
      %add3A_125 = vector.broadcast %add3A_124 : i32 to vector<256x128xi32>
      %add3A_126 = arith.addi %iota3A, %add3A_125 : vector<256x128xi32>
      %select_n3A_127 = arith.select %lt3A_122, %add3A_126, %select_n3A_113 : vector<256x128xi1>, vector<256x128xi32>
      %broadcast_in_dim3A_128 = vector.shape_cast %reduce_sum3A_4 : vector<256xf32> to vector<256x1xf32>
      %slice3A_129 = vector.extract_strided_slice %get3A_76 {offsets = [512], sizes = [128], strides = [1]} : vector<2048xf32> to vector<128xf32>
      %broadcast_in_dim3A_130 = vector.shape_cast %slice3A_129 : vector<128xf32> to vector<1x128xf32>
      %add3A_131 = vector.broadcast %broadcast_in_dim3A_128 : vector<256x1xf32> to vector<256x128xf32>
      %add3A_132 = vector.broadcast %broadcast_in_dim3A_130 : vector<1x128xf32> to vector<256x128xf32>
      %add3A_133 = arith.addf %add3A_131, %add3A_132 : vector<256x128xf32>
      %slice3A_134 = vector.extract_strided_slice %dot_general3A_77 {offsets = [0, 512], sizes = [256, 128], strides = [1, 1]} : vector<256x2048xf32> to vector<256x128xf32>
      %add3A_135 = arith.addf %add3A_133, %slice3A_134 : vector<256x128xf32>
      %add3A_136 = arith.constant 512 : i32
      %add3A_137 = vector.broadcast %add3A_136 : i32 to vector<256x128xi32>
      %add3A_138 = arith.addi %iota3A, %add3A_137 : vector<256x128xi32>
      %broadcast_in_dim3A_139 = vector.shape_cast %reduce_sum3A_4 : vector<256xf32> to vector<256x1xf32>
      %slice3A_140 = vector.extract_strided_slice %get3A_76 {offsets = [640], sizes = [128], strides = [1]} : vector<2048xf32> to vector<128xf32>
      %broadcast_in_dim3A_141 = vector.shape_cast %slice3A_140 : vector<128xf32> to vector<1x128xf32>
      %add3A_142 = vector.broadcast %broadcast_in_dim3A_139 : vector<256x1xf32> to vector<256x128xf32>
      %add3A_143 = vector.broadcast %broadcast_in_dim3A_141 : vector<1x128xf32> to vector<256x128xf32>
      %add3A_144 = arith.addf %add3A_142, %add3A_143 : vector<256x128xf32>
      %slice3A_145 = vector.extract_strided_slice %dot_general3A_77 {offsets = [0, 640], sizes = [256, 128], strides = [1, 1]} : vector<256x2048xf32> to vector<256x128xf32>
      %add3A_146 = arith.addf %add3A_144, %slice3A_145 : vector<256x128xf32>
      %lt3A_147 = arith.cmpf olt, %add3A_146, %add3A_135 : vector<256x128xf32>
      %select_n3A_148 = arith.select %lt3A_147, %add3A_146, %add3A_135 : vector<256x128xi1>, vector<256x128xf32>
      %add3A_149 = arith.constant 640 : i32
      %add3A_150 = vector.broadcast %add3A_149 : i32 to vector<256x128xi32>
      %add3A_151 = arith.addi %iota3A, %add3A_150 : vector<256x128xi32>
      %select_n3A_152 = arith.select %lt3A_147, %add3A_151, %add3A_138 : vector<256x128xi1>, vector<256x128xi32>
      %broadcast_in_dim3A_153 = vector.shape_cast %reduce_sum3A_4 : vector<256xf32> to vector<256x1xf32>
      %slice3A_154 = vector.extract_strided_slice %get3A_76 {offsets = [768], sizes = [128], strides = [1]} : vector<2048xf32> to vector<128xf32>
      %broadcast_in_dim3A_155 = vector.shape_cast %slice3A_154 : vector<128xf32> to vector<1x128xf32>
      %add3A_156 = vector.broadcast %broadcast_in_dim3A_153 : vector<256x1xf32> to vector<256x128xf32>
      %add3A_157 = vector.broadcast %broadcast_in_dim3A_155 : vector<1x128xf32> to vector<256x128xf32>
      %add3A_158 = arith.addf %add3A_156, %add3A_157 : vector<256x128xf32>
      %slice3A_159 = vector.extract_strided_slice %dot_general3A_77 {offsets = [0, 768], sizes = [256, 128], strides = [1, 1]} : vector<256x2048xf32> to vector<256x128xf32>
      %add3A_160 = arith.addf %add3A_158, %slice3A_159 : vector<256x128xf32>
      %lt3A_161 = arith.cmpf olt, %add3A_160, %select_n3A_148 : vector<256x128xf32>
      %select_n3A_162 = arith.select %lt3A_161, %add3A_160, %select_n3A_148 : vector<256x128xi1>, vector<256x128xf32>
      %add3A_163 = arith.constant 768 : i32
      %add3A_164 = vector.broadcast %add3A_163 : i32 to vector<256x128xi32>
      %add3A_165 = arith.addi %iota3A, %add3A_164 : vector<256x128xi32>
      %select_n3A_166 = arith.select %lt3A_161, %add3A_165, %select_n3A_152 : vector<256x128xi1>, vector<256x128xi32>
      %broadcast_in_dim3A_167 = vector.shape_cast %reduce_sum3A_4 : vector<256xf32> to vector<256x1xf32>
      %slice3A_168 = vector.extract_strided_slice %get3A_76 {offsets = [896], sizes = [128], strides = [1]} : vector<2048xf32> to vector<128xf32>
      %broadcast_in_dim3A_169 = vector.shape_cast %slice3A_168 : vector<128xf32> to vector<1x128xf32>
      %add3A_170 = vector.broadcast %broadcast_in_dim3A_167 : vector<256x1xf32> to vector<256x128xf32>
      %add3A_171 = vector.broadcast %broadcast_in_dim3A_169 : vector<1x128xf32> to vector<256x128xf32>
      %add3A_172 = arith.addf %add3A_170, %add3A_171 : vector<256x128xf32>
      %slice3A_173 = vector.extract_strided_slice %dot_general3A_77 {offsets = [0, 896], sizes = [256, 128], strides = [1, 1]} : vector<256x2048xf32> to vector<256x128xf32>
      %add3A_174 = arith.addf %add3A_172, %slice3A_173 : vector<256x128xf32>
      %lt3A_175 = arith.cmpf olt, %add3A_174, %select_n3A_162 : vector<256x128xf32>
      %select_n3A_176 = arith.select %lt3A_175, %add3A_174, %select_n3A_162 : vector<256x128xi1>, vector<256x128xf32>
      %add3A_177 = arith.constant 896 : i32
      %add3A_178 = vector.broadcast %add3A_177 : i32 to vector<256x128xi32>
      %add3A_179 = arith.addi %iota3A, %add3A_178 : vector<256x128xi32>
      %select_n3A_180 = arith.select %lt3A_175, %add3A_179, %select_n3A_166 : vector<256x128xi1>, vector<256x128xi32>
      %broadcast_in_dim3A_181 = vector.shape_cast %reduce_sum3A_4 : vector<256xf32> to vector<256x1xf32>
      %slice3A_182 = vector.extract_strided_slice %get3A_76 {offsets = [1024], sizes = [128], strides = [1]} : vector<2048xf32> to vector<128xf32>
      %broadcast_in_dim3A_183 = vector.shape_cast %slice3A_182 : vector<128xf32> to vector<1x128xf32>
      %add3A_184 = vector.broadcast %broadcast_in_dim3A_181 : vector<256x1xf32> to vector<256x128xf32>
      %add3A_185 = vector.broadcast %broadcast_in_dim3A_183 : vector<1x128xf32> to vector<256x128xf32>
      %add3A_186 = arith.addf %add3A_184, %add3A_185 : vector<256x128xf32>
      %slice3A_187 = vector.extract_strided_slice %dot_general3A_77 {offsets = [0, 1024], sizes = [256, 128], strides = [1, 1]} : vector<256x2048xf32> to vector<256x128xf32>
      %add3A_188 = arith.addf %add3A_186, %slice3A_187 : vector<256x128xf32>
      %add3A_189 = arith.constant 1024 : i32
      %add3A_190 = vector.broadcast %add3A_189 : i32 to vector<256x128xi32>
      %add3A_191 = arith.addi %iota3A, %add3A_190 : vector<256x128xi32>
      %broadcast_in_dim3A_192 = vector.shape_cast %reduce_sum3A_4 : vector<256xf32> to vector<256x1xf32>
      %slice3A_193 = vector.extract_strided_slice %get3A_76 {offsets = [1152], sizes = [128], strides = [1]} : vector<2048xf32> to vector<128xf32>
      %broadcast_in_dim3A_194 = vector.shape_cast %slice3A_193 : vector<128xf32> to vector<1x128xf32>
      %add3A_195 = vector.broadcast %broadcast_in_dim3A_192 : vector<256x1xf32> to vector<256x128xf32>
      %add3A_196 = vector.broadcast %broadcast_in_dim3A_194 : vector<1x128xf32> to vector<256x128xf32>
      %add3A_197 = arith.addf %add3A_195, %add3A_196 : vector<256x128xf32>
      %slice3A_198 = vector.extract_strided_slice %dot_general3A_77 {offsets = [0, 1152], sizes = [256, 128], strides = [1, 1]} : vector<256x2048xf32> to vector<256x128xf32>
      %add3A_199 = arith.addf %add3A_197, %slice3A_198 : vector<256x128xf32>
      %lt3A_200 = arith.cmpf olt, %add3A_199, %add3A_188 : vector<256x128xf32>
      %select_n3A_201 = arith.select %lt3A_200, %add3A_199, %add3A_188 : vector<256x128xi1>, vector<256x128xf32>
      %add3A_202 = arith.constant 1152 : i32
      %add3A_203 = vector.broadcast %add3A_202 : i32 to vector<256x128xi32>
      %add3A_204 = arith.addi %iota3A, %add3A_203 : vector<256x128xi32>
      %select_n3A_205 = arith.select %lt3A_200, %add3A_204, %add3A_191 : vector<256x128xi1>, vector<256x128xi32>
      %broadcast_in_dim3A_206 = vector.shape_cast %reduce_sum3A_4 : vector<256xf32> to vector<256x1xf32>
      %slice3A_207 = vector.extract_strided_slice %get3A_76 {offsets = [1280], sizes = [128], strides = [1]} : vector<2048xf32> to vector<128xf32>
      %broadcast_in_dim3A_208 = vector.shape_cast %slice3A_207 : vector<128xf32> to vector<1x128xf32>
      %add3A_209 = vector.broadcast %broadcast_in_dim3A_206 : vector<256x1xf32> to vector<256x128xf32>
      %add3A_210 = vector.broadcast %broadcast_in_dim3A_208 : vector<1x128xf32> to vector<256x128xf32>
      %add3A_211 = arith.addf %add3A_209, %add3A_210 : vector<256x128xf32>
      %slice3A_212 = vector.extract_strided_slice %dot_general3A_77 {offsets = [0, 1280], sizes = [256, 128], strides = [1, 1]} : vector<256x2048xf32> to vector<256x128xf32>
      %add3A_213 = arith.addf %add3A_211, %slice3A_212 : vector<256x128xf32>
      %lt3A_214 = arith.cmpf olt, %add3A_213, %select_n3A_201 : vector<256x128xf32>
      %select_n3A_215 = arith.select %lt3A_214, %add3A_213, %select_n3A_201 : vector<256x128xi1>, vector<256x128xf32>
      %add3A_216 = arith.constant 1280 : i32
      %add3A_217 = vector.broadcast %add3A_216 : i32 to vector<256x128xi32>
      %add3A_218 = arith.addi %iota3A, %add3A_217 : vector<256x128xi32>
      %select_n3A_219 = arith.select %lt3A_214, %add3A_218, %select_n3A_205 : vector<256x128xi1>, vector<256x128xi32>
      %broadcast_in_dim3A_220 = vector.shape_cast %reduce_sum3A_4 : vector<256xf32> to vector<256x1xf32>
      %slice3A_221 = vector.extract_strided_slice %get3A_76 {offsets = [1408], sizes = [128], strides = [1]} : vector<2048xf32> to vector<128xf32>
      %broadcast_in_dim3A_222 = vector.shape_cast %slice3A_221 : vector<128xf32> to vector<1x128xf32>
      %add3A_223 = vector.broadcast %broadcast_in_dim3A_220 : vector<256x1xf32> to vector<256x128xf32>
      %add3A_224 = vector.broadcast %broadcast_in_dim3A_222 : vector<1x128xf32> to vector<256x128xf32>
      %add3A_225 = arith.addf %add3A_223, %add3A_224 : vector<256x128xf32>
      %slice3A_226 = vector.extract_strided_slice %dot_general3A_77 {offsets = [0, 1408], sizes = [256, 128], strides = [1, 1]} : vector<256x2048xf32> to vector<256x128xf32>
      %add3A_227 = arith.addf %add3A_225, %slice3A_226 : vector<256x128xf32>
      %lt3A_228 = arith.cmpf olt, %add3A_227, %select_n3A_215 : vector<256x128xf32>
      %select_n3A_229 = arith.select %lt3A_228, %add3A_227, %select_n3A_215 : vector<256x128xi1>, vector<256x128xf32>
      %add3A_230 = arith.constant 1408 : i32
      %add3A_231 = vector.broadcast %add3A_230 : i32 to vector<256x128xi32>
      %add3A_232 = arith.addi %iota3A, %add3A_231 : vector<256x128xi32>
      %select_n3A_233 = arith.select %lt3A_228, %add3A_232, %select_n3A_219 : vector<256x128xi1>, vector<256x128xi32>
      %broadcast_in_dim3A_234 = vector.shape_cast %reduce_sum3A_4 : vector<256xf32> to vector<256x1xf32>
      %slice3A_235 = vector.extract_strided_slice %get3A_76 {offsets = [1536], sizes = [128], strides = [1]} : vector<2048xf32> to vector<128xf32>
      %broadcast_in_dim3A_236 = vector.shape_cast %slice3A_235 : vector<128xf32> to vector<1x128xf32>
      %add3A_237 = vector.broadcast %broadcast_in_dim3A_234 : vector<256x1xf32> to vector<256x128xf32>
      %add3A_238 = vector.broadcast %broadcast_in_dim3A_236 : vector<1x128xf32> to vector<256x128xf32>
      %add3A_239 = arith.addf %add3A_237, %add3A_238 : vector<256x128xf32>
      %slice3A_240 = vector.extract_strided_slice %dot_general3A_77 {offsets = [0, 1536], sizes = [256, 128], strides = [1, 1]} : vector<256x2048xf32> to vector<256x128xf32>
      %add3A_241 = arith.addf %add3A_239, %slice3A_240 : vector<256x128xf32>
      %add3A_242 = arith.constant 1536 : i32
      %add3A_243 = vector.broadcast %add3A_242 : i32 to vector<256x128xi32>
      %add3A_244 = arith.addi %iota3A, %add3A_243 : vector<256x128xi32>
      %broadcast_in_dim3A_245 = vector.shape_cast %reduce_sum3A_4 : vector<256xf32> to vector<256x1xf32>
      %slice3A_246 = vector.extract_strided_slice %get3A_76 {offsets = [1664], sizes = [128], strides = [1]} : vector<2048xf32> to vector<128xf32>
      %broadcast_in_dim3A_247 = vector.shape_cast %slice3A_246 : vector<128xf32> to vector<1x128xf32>
      %add3A_248 = vector.broadcast %broadcast_in_dim3A_245 : vector<256x1xf32> to vector<256x128xf32>
      %add3A_249 = vector.broadcast %broadcast_in_dim3A_247 : vector<1x128xf32> to vector<256x128xf32>
      %add3A_250 = arith.addf %add3A_248, %add3A_249 : vector<256x128xf32>
      %slice3A_251 = vector.extract_strided_slice %dot_general3A_77 {offsets = [0, 1664], sizes = [256, 128], strides = [1, 1]} : vector<256x2048xf32> to vector<256x128xf32>
      %add3A_252 = arith.addf %add3A_250, %slice3A_251 : vector<256x128xf32>
      %lt3A_253 = arith.cmpf olt, %add3A_252, %add3A_241 : vector<256x128xf32>
      %select_n3A_254 = arith.select %lt3A_253, %add3A_252, %add3A_241 : vector<256x128xi1>, vector<256x128xf32>
      %add3A_255 = arith.constant 1664 : i32
      %add3A_256 = vector.broadcast %add3A_255 : i32 to vector<256x128xi32>
      %add3A_257 = arith.addi %iota3A, %add3A_256 : vector<256x128xi32>
      %select_n3A_258 = arith.select %lt3A_253, %add3A_257, %add3A_244 : vector<256x128xi1>, vector<256x128xi32>
      %broadcast_in_dim3A_259 = vector.shape_cast %reduce_sum3A_4 : vector<256xf32> to vector<256x1xf32>
      %slice3A_260 = vector.extract_strided_slice %get3A_76 {offsets = [1792], sizes = [128], strides = [1]} : vector<2048xf32> to vector<128xf32>
      %broadcast_in_dim3A_261 = vector.shape_cast %slice3A_260 : vector<128xf32> to vector<1x128xf32>
      %add3A_262 = vector.broadcast %broadcast_in_dim3A_259 : vector<256x1xf32> to vector<256x128xf32>
      %add3A_263 = vector.broadcast %broadcast_in_dim3A_261 : vector<1x128xf32> to vector<256x128xf32>
      %add3A_264 = arith.addf %add3A_262, %add3A_263 : vector<256x128xf32>
      %slice3A_265 = vector.extract_strided_slice %dot_general3A_77 {offsets = [0, 1792], sizes = [256, 128], strides = [1, 1]} : vector<256x2048xf32> to vector<256x128xf32>
      %add3A_266 = arith.addf %add3A_264, %slice3A_265 : vector<256x128xf32>
      %lt3A_267 = arith.cmpf olt, %add3A_266, %select_n3A_254 : vector<256x128xf32>
      %select_n3A_268 = arith.select %lt3A_267, %add3A_266, %select_n3A_254 : vector<256x128xi1>, vector<256x128xf32>
      %add3A_269 = arith.constant 1792 : i32
      %add3A_270 = vector.broadcast %add3A_269 : i32 to vector<256x128xi32>
      %add3A_271 = arith.addi %iota3A, %add3A_270 : vector<256x128xi32>
      %select_n3A_272 = arith.select %lt3A_267, %add3A_271, %select_n3A_258 : vector<256x128xi1>, vector<256x128xi32>
      %broadcast_in_dim3A_273 = vector.shape_cast %reduce_sum3A_4 : vector<256xf32> to vector<256x1xf32>
      %slice3A_274 = vector.extract_strided_slice %get3A_76 {offsets = [1920], sizes = [128], strides = [1]} : vector<2048xf32> to vector<128xf32>
      %broadcast_in_dim3A_275 = vector.shape_cast %slice3A_274 : vector<128xf32> to vector<1x128xf32>
      %add3A_276 = vector.broadcast %broadcast_in_dim3A_273 : vector<256x1xf32> to vector<256x128xf32>
      %add3A_277 = vector.broadcast %broadcast_in_dim3A_275 : vector<1x128xf32> to vector<256x128xf32>
      %add3A_278 = arith.addf %add3A_276, %add3A_277 : vector<256x128xf32>
      %slice3A_279 = vector.extract_strided_slice %dot_general3A_77 {offsets = [0, 1920], sizes = [256, 128], strides = [1, 1]} : vector<256x2048xf32> to vector<256x128xf32>
      %add3A_280 = arith.addf %add3A_278, %slice3A_279 : vector<256x128xf32>
      %lt3A_281 = arith.cmpf olt, %add3A_280, %select_n3A_268 : vector<256x128xf32>
      %select_n3A_282 = arith.select %lt3A_281, %add3A_280, %select_n3A_268 : vector<256x128xi1>, vector<256x128xf32>
      %add3A_283 = arith.constant 1920 : i32
      %add3A_284 = vector.broadcast %add3A_283 : i32 to vector<256x128xi32>
      %add3A_285 = arith.addi %iota3A, %add3A_284 : vector<256x128xi32>
      %select_n3A_286 = arith.select %lt3A_281, %add3A_285, %select_n3A_272 : vector<256x128xi1>, vector<256x128xi32>
      %lt3A_287 = arith.cmpf olt, %select_n3A_176, %select_n3A_123 : vector<256x128xf32>
      %select_n3A_288 = arith.select %lt3A_287, %select_n3A_176, %select_n3A_123 : vector<256x128xi1>, vector<256x128xf32>
      %select_n3A_289 = arith.select %lt3A_287, %select_n3A_180, %select_n3A_127 : vector<256x128xi1>, vector<256x128xi32>
      %lt3A_290 = arith.cmpf olt, %select_n3A_229, %select_n3A_288 : vector<256x128xf32>
      %select_n3A_291 = arith.select %lt3A_290, %select_n3A_229, %select_n3A_288 : vector<256x128xi1>, vector<256x128xf32>
      %select_n3A_292 = arith.select %lt3A_290, %select_n3A_233, %select_n3A_289 : vector<256x128xi1>, vector<256x128xi32>
      %lt3A_293 = arith.cmpf olt, %select_n3A_282, %select_n3A_291 : vector<256x128xf32>
      %select_n3A_294 = arith.select %lt3A_293, %select_n3A_282, %select_n3A_291 : vector<256x128xi1>, vector<256x128xf32>
      %select_n3A_295 = arith.select %lt3A_293, %select_n3A_286, %select_n3A_292 : vector<256x128xi1>, vector<256x128xi32>
      %reduce_min3A = arith.constant dense<0x7F800000> : vector<256xf32>
      %reduce_min3A_296 = vector.multi_reduction <minimumf>, %select_n3A_294, %reduce_min3A [1] : vector<256x128xf32> to vector<256xf32>
      %broadcast_in_dim3A_297 = vector.shape_cast %reduce_min3A_296 : vector<256xf32> to vector<256x1xf32>
      %eq3A_298 = vector.broadcast %broadcast_in_dim3A_297 : vector<256x1xf32> to vector<256x128xf32>
      %eq3A_299 = arith.cmpf oeq, %select_n3A_294, %eq3A_298 : vector<256x128xf32>
      %jit3A = arith.constant 8192 : i32
      %broadcast_in_dim3A_300 = vector.broadcast %jit3A : i32 to vector<256x128xi32>
      %select_n3A_301 = arith.select %eq3A_299, %select_n3A_295, %broadcast_in_dim3A_300 : vector<256x128xi1>, vector<256x128xi32>
      %reduce_min3A_302 = arith.constant dense<2147483647> : vector<256xi32>
      %reduce_min3A_303 = vector.multi_reduction <minsi>, %select_n3A_301, %reduce_min3A_302 [1] : vector<256x128xi32> to vector<256xi32>
      %mul3A_304 = arith.constant 2048 : i32
      %mul3A_305 = arith.muli %scan3A_64, %mul3A_304 : i32
      %add3A_306 = vector.broadcast %mul3A_305 : i32 to vector<256xi32>
      %add3A_307 = arith.addi %reduce_min3A_303, %add3A_306 : vector<256xi32>
      %lt3A_308 = arith.cmpf olt, %scan3A_65, %reduce_min3A_296 : vector<256xf32>
      %eq3A_309 = arith.cmpf oeq, %scan3A_65, %reduce_min3A_296 : vector<256xf32>
      %lt3A_310 = arith.cmpi slt, %scan3A_67, %add3A_307 : vector<256xi32>
      %and3A_311 = arith.andi %eq3A_309, %lt3A_310 : vector<256xi1>
      %or3A = arith.ori %lt3A_308, %and3A_311 : vector<256xi1>
      %select_n3A_312 = arith.select %or3A, %scan3A_67, %add3A_307 : vector<256xi1>, vector<256xi32>
      %select_n3A_313 = arith.select %or3A, %scan3A_66, %reduce_min3A_296 : vector<256xi1>, vector<256xf32>
      %select_n3A_314 = arith.select %or3A, %scan3A_65, %reduce_min3A_296 : vector<256xi1>, vector<256xf32>
      %bitcast_convert_type3A_315 = tpu.bitcast %select_n3A_314 : vector<256xf32> -> vector<256xi32>
      %add3A_316 = arith.constant 32767 : i32
      %add3A_317 = vector.broadcast %add3A_316 : i32 to vector<256xi32>
      %add3A_318 = arith.addi %bitcast_convert_type3A_315, %add3A_317 : vector<256xi32>
      %shift_right_logical3A_319 = arith.constant 16 : i32
      %shift_right_logical3A_320 = vector.broadcast %shift_right_logical3A_319 : i32 to vector<256xi32>
      %shift_right_logical3A_321 = arith.shrui %bitcast_convert_type3A_315, %shift_right_logical3A_320 : vector<256xi32>
      %and3A_322 = arith.constant 1 : i32
      %and3A_323 = vector.broadcast %and3A_322 : i32 to vector<256xi32>
      %and3A_324 = arith.andi %shift_right_logical3A_321, %and3A_323 : vector<256xi32>
      %add3A_325 = arith.addi %add3A_318, %and3A_324 : vector<256xi32>
      %and3A_326 = arith.constant -65536 : i32
      %and3A_327 = vector.broadcast %and3A_326 : i32 to vector<256xi32>
      %and3A_328 = arith.andi %add3A_325, %and3A_327 : vector<256xi32>
      %bitcast_convert_type3A_329 = tpu.bitcast %and3A_328 : vector<256xi32> -> vector<256xf32>
      scf.yield %bitcast_convert_type3A_329, %select_n3A_313, %select_n3A_312 : vector<256xf32>, vector<256xf32>, vector<256xi32>
    }
    %scan3A_27 = arith.constant 4 : i32
    %swap3A = arith.constant 0 : index
    %swap3A_28 = arith.constant 0 : index
    %swap3A_29 = arith.constant 0 : index
    %swap3A_30 = vector.load %arg4[%swap3A, %swap3A_28, %swap3A_29] : memref<1x1x256xi32, #tpu.memory_space<vmem>>, vector<1x1x256xi32>
    %swap3A_31 = vector.shape_cast %swap3A_30 : vector<1x1x256xi32> to vector<256xi32>
    %swap3A_32 = vector.shape_cast %scan3A_26#2 : vector<256xi32> to vector<1x1x256xi32>
    tpu.vector_store %arg4[%swap3A, %swap3A_28, %swap3A_29], %swap3A_32 {strides = array<i32>} : memref<1x1x256xi32, #tpu.memory_space<vmem>>, vector<1x1x256xi32>,
    %get3A_33 = arith.constant 0 : index
    %get3A_34 = arith.constant 0 : index
    %get3A_35 = arith.constant 0 : index
    %get3A_36 = vector.load %arg3[%get3A_33, %get3A_34, %get3A_35] : memref<1x1x256xf32, #tpu.memory_space<vmem>>, vector<1x1x256xf32>
    %get3A_37 = vector.shape_cast %get3A_36 : vector<1x1x256xf32> to vector<256xf32>
    %get3A_38 = arith.constant 0 : index
    %get3A_39 = arith.constant 0 : index
    %get3A_40 = vector.load %arg7[%get3A_38, %get3A_39] : memref<2x256xf32, #tpu.memory_space<vmem>>, vector<1x256xf32>
    %get3A_41 = vector.shape_cast %get3A_40 : vector<1x256xf32> to vector<256xf32>
    %mul3A_42 = arith.mulf %get3A_37, %scan3A_26#1 : vector<256xf32>
    %add3A_43 = arith.addf %get3A_41, %mul3A_42 : vector<256xf32>
    %swap3A_44 = arith.constant 0 : index
    %swap3A_45 = arith.constant 0 : index
    %swap3A_46 = vector.load %arg7[%swap3A_44, %swap3A_45] : memref<2x256xf32, #tpu.memory_space<vmem>>, vector<1x256xf32>
    %swap3A_47 = vector.shape_cast %swap3A_46 : vector<1x256xf32> to vector<256xf32>
    %swap3A_48 = vector.shape_cast %add3A_43 : vector<256xf32> to vector<1x256xf32>
    tpu.vector_store %arg7[%swap3A_44, %swap3A_45], %swap3A_48 {strides = array<i32>} : memref<2x256xf32, #tpu.memory_space<vmem>>, vector<1x256xf32>,
    %get3A_49 = arith.constant 1 : index
    %get3A_50 = arith.constant 0 : index
    %get3A_51 = vector.load %arg7[%get3A_49, %get3A_50] : memref<2x256xf32, #tpu.memory_space<vmem>>, vector<1x256xf32>
    %get3A_52 = vector.shape_cast %get3A_51 : vector<1x256xf32> to vector<256xf32>
    %add3A_53 = arith.addf %get3A_52, %get3A_37 : vector<256xf32>
    %swap3A_54 = arith.constant 1 : index
    %swap3A_55 = arith.constant 0 : index
    %swap3A_56 = vector.load %arg7[%swap3A_54, %swap3A_55] : memref<2x256xf32, #tpu.memory_space<vmem>>, vector<1x256xf32>
    %swap3A_57 = vector.shape_cast %swap3A_56 : vector<1x256xf32> to vector<256xf32>
    %swap3A_58 = vector.shape_cast %add3A_53 : vector<256xf32> to vector<1x256xf32>
    tpu.vector_store %arg7[%swap3A_54, %swap3A_55], %swap3A_58 {strides = array<i32>} : memref<2x256xf32, #tpu.memory_space<vmem>>, vector<1x256xf32>,
    %eq3A_59 = arith.constant 31 : i32
    %eq3A_60 = arith.cmpi eq, %arg0, %eq3A_59 : i32
    %convert_element_type3A_61 = arith.extui %eq3A_60 : i1 to i32
    %cond3A_62 = arith.constant 0 : i32
    %cond3A_63 = arith.cmpi ne, %convert_element_type3A_61, %cond3A_62 : i32
    scf.if %cond3A_63 {
      %get3A_64 = arith.constant 0 : index
      %get3A_65 = arith.constant 0 : index
      %get3A_66 = vector.load %arg7[%get3A_64, %get3A_65] : memref<2x256xf32, #tpu.memory_space<vmem>>, vector<1x256xf32>
      %get3A_67 = vector.shape_cast %get3A_66 : vector<1x256xf32> to vector<256xf32>
      %reduce_sum3A_68 = vector.shape_cast %get3A_67 : vector<256xf32> to vector<1x256xf32>
      %reduce_sum3A_69 = arith.constant dense<0.000000e+00> : vector<1xf32>
      %reduce_sum3A_70 = vector.multi_reduction <add>, %reduce_sum3A_68, %reduce_sum3A_69 [1] : vector<1x256xf32> to vector<1xf32>
      %reduce_sum3A_71 = vector.shape_cast %reduce_sum3A_70 : vector<1xf32> to vector<1x1xf32>
      %reduce_sum3A_72 = vector.extract %reduce_sum3A_71[0, 0] : f32 from vector<1x1xf32>
      %div3A = arith.constant 3.200000e+01 : f32
      %div3A_73 = arith.divf %reduce_sum3A_72, %div3A : f32
      %get3A_74 = arith.constant 1 : index
      %get3A_75 = arith.constant 0 : index
      %get3A_76 = vector.load %arg7[%get3A_74, %get3A_75] : memref<2x256xf32, #tpu.memory_space<vmem>>, vector<1x256xf32>
      %get3A_77 = vector.shape_cast %get3A_76 : vector<1x256xf32> to vector<256xf32>
      %reduce_sum3A_78 = vector.shape_cast %get3A_77 : vector<256xf32> to vector<1x256xf32>
      %reduce_sum3A_79 = arith.constant dense<0.000000e+00> : vector<1xf32>
      %reduce_sum3A_80 = vector.multi_reduction <add>, %reduce_sum3A_78, %reduce_sum3A_79 [1] : vector<1x256xf32> to vector<1xf32>
      %reduce_sum3A_81 = vector.shape_cast %reduce_sum3A_80 : vector<1xf32> to vector<1x1xf32>
      %reduce_sum3A_82 = vector.extract %reduce_sum3A_81[0, 0] : f32 from vector<1x1xf32>
      %max3A = arith.constant 1.000000e+00 : f32
      %max3A_83 = arith.maximumf %reduce_sum3A_82, %max3A : f32
      %div3A_84 = arith.divf %div3A_73, %max3A_83 : f32
      %mul3A_85 = arith.constant 1.250000e+00 : f32
      %mul3A_86 = arith.mulf %mul3A_85, %div3A_84 : f32
      %swap3A_87 = arith.constant 0 : index
      %swap3A_88 = arith.constant 0 : index
      %swap3A_89 = memref.load %arg5[%swap3A_87, %swap3A_88] : memref<1x1xf32, #tpu.memory_space<smem>>
      memref.store %mul3A_86, %arg5[%swap3A_87, %swap3A_88] : memref<1x1xf32, #tpu.memory_space<smem>>
    } else {
    }
    return
  }
  func.func @transform_0(%arg0: i32) -> (i32, i32) {
    %c0_i32 = arith.constant 0 : i32
    %c0_i32_0 = arith.constant 0 : i32
    return %arg0, %c0_i32 : i32, i32
  }
  func.func @transform_1(%arg0: i32) -> (i32, i32) {
    %c0_i32 = arith.constant 0 : i32
    %c0_i32_0 = arith.constant 0 : i32
    %c0_i32_1 = arith.constant 0 : i32
    return %c0_i32, %c0_i32_0 : i32, i32
  }
  func.func @transform_2(%arg0: i32) -> (i32, i32, i32) {
    %c0_i32 = arith.constant 0 : i32
    %c0_i32_0 = arith.constant 0 : i32
    %c0_i32_1 = arith.constant 0 : i32
    return %arg0, %c0_i32, %c0_i32_0 : i32, i32, i32
  }
  func.func @transform_3(%arg0: i32) -> (i32, i32, i32) {
    %c0_i32 = arith.constant 0 : i32
    %c0_i32_0 = arith.constant 0 : i32
    %c0_i32_1 = arith.constant 0 : i32
    return %arg0, %c0_i32, %c0_i32_0 : i32, i32, i32
  }
  func.func @transform_4(%arg0: i32) -> (i32, i32) {
    %c0_i32 = arith.constant 0 : i32
    %c0_i32_0 = arith.constant 0 : i32
    %c0_i32_1 = arith.constant 0 : i32
    return %c0_i32, %c0_i32_0 : i32, i32
  }
}

</mosaic_0001>

<sc_bundles>
// kernel: kernel.4.cloned.1.call-start
scs
__scs_entry_jumppad:
0x0: {  	(pc) =	sbr.rel $0x88, $3  }
0x1: {  	(tag) =	ssettag $0x0;
	lr =	simm.s32 $0x1  }
0x2: {  	[smem:$0x3F9E] =	sst lr;
	_ =	strace $0xD0000000  }
0x3: {  	_ = 	snop  }
0x4: {  	_ = 	snop  }
0x5: {  	_ = 	snop  }
0x6: {  	_ = 	snop  }
0x7: {  	_ = 	snop  }
__scs_overlays_trampoline_lowered:
0x8: {  	[smem:$0x3FAD] =	sst s0  }
0x9: {  	[smem:$0x3FAE] =	sst s1  }
0xa: {  	[smem:$0x3FAF] =	sst s2  }
0xb: {  	[smem:$0x3FB0] =	sst s3  }
0xc: {  	[smem:$0x3FB1] =	sst s4  }
0xd: {  	[smem:$0x3FB2] =	sst s5  }
0xe: {  	[smem:$0x3FB3] =	sst s6  }
0xf: {  	[smem:$0x3FB4] =	sst s7  }
0x10: {  	[smem:$0x3FB5] =	sst s8  }
0x11: {  	[smem:$0x3FB6] =	sst s9;
	s0 =	simm.s32 @!p0 $0x0  }
0x12: {  	s1 =	sld [smem:$0x3F9C];
	s0 =	simm.s32 @p0 $0x1  }
0x13: {  	[smem:$0x3FB7] =	sst s0;
	s0 =	simm.s32 @!p1 $0x0  }
0x14: {  	s2 =	sld [smem:$0x3F9B];
	s0 =	simm.s32 @p1 $0x1  }
0x15: {  	[smem:$0x3FB8] =	sst s0;
	s0 =	simm.s32 @!p2 $0x0  }
0x16: {  	s3 =	sld [smem:$0x3FDB];
	s0 =	simm.s32 @p2 $0x1  }
0x17: {  	s4 =	simm.s32 $0x1BF5;
	[smem:$0x3FBA] =	sst s0  }
0x18: {  	s0 =	sld [smem:$0x3F9D];
	_ =	swait.ge [sflag:s4], $0x0  }
0x19: {  	s7 =	sld [smem:$0x3F9E]  }
0x1a: {  	s8 =	sadd.s32 $0xFFFFE003, lr  }
0x1b: {  	s9 =	sadd.s32 $0xFFFFFEF7, lr;
	s5 =	simm.s32 $0xFFFFFFFF;
	p2 =	slt.u32 s8, $0xFFFFF086  }
0x1c: {  	p1 =	slt.u32 s9, $0xF7A;
	s5 =	simm.s32 @!p2 $0x0  }
0x1d: {  	s5 =	simm.s32 @p1 $0x1;
	p0 =	seq.s32 s7, s2  }
0x1e: {  	s7 =	smul.u32 @!p0 $0xF7A, s2;
	p2 =	seq.s32 @!p0 s5, $0x0  }
0x1f: {  	s9 =	smul.u32 $0xF7A, s1;
	s8 =	simm.s32 @!p0 $0x1BF5;
	p2 =	por !p2, p0  }
0x20: {  	[sflag:s8] =	ssyncset.s32 @!p0 $0xFFFFF086;
	s6 =	sadd.s32 @!p0 s3, s7;
	s7 =	simm.s32 @!p0 $0x108  }
0x21: {  	s3 =	sadd.s32 s3, s9;
	s6 =	sadd.s32 @!p0 $0x88, s6;
	s7 =	simm.s32 @p2 $0x1082  }
0x22: {  	[simem:s7], [sflag:s8] =	dma.local @!p0 [hbm:s6], $0xF7A  }
0x23: {  	s9 =	sor.u32 $0xD0000000, s2;
	s6 =	simm.s32 $0x108;
	_ =	swait.ge @!p0 [sflag:s8], $0x0  }
0x24: {  	s3 =	sadd.s32 $0x88, s3;
	s6 =	simm.s32 @!p1 $0x1082;
	[sflag:s4] =	ssyncset.s32 $0xFFFFF086  }
0x25: {  	[simem:s6], [sflag:s4] =	dma.local [hbm:s3], $0xF7A  }
0x26: {  	[smem:$0x3F9E] =	sst s1;
	(tag) =	ssettag s2;
	_ =	strace s9  }
0x27: {  	s1 =	sld [smem:$0x3FAE]  }
0x28: {  	s2 =	sld [smem:$0x3FAF]  }
0x29: {  	s4 =	sld [smem:$0x3FB1]  }
0x2a: {  	p0 =	seq.s32 s5, $0x0;
	s5 =	sld [smem:$0x3FB2]  }
0x2b: {  	s6 =	sld [smem:$0x3FB3]  }
0x2c: {  	s7 =	sld [smem:$0x3FB4]  }
0x2d: {  	s3 =	simm.s32 $0x108;
	s8 =	sld [smem:$0x3FB5]  }
0x2e: {  	s3 =	simm.s32 @!p0 $0x1082;
	s9 =	sld [smem:$0x3FB6]  }
0x2f: {  	lr =	sadd.s32 s0, s3;
	s0 =	sld [smem:$0x3FAD]  }
0x30: {  	s3 =	sld [smem:$0x3FB0]  }
0x31: {  	[smem:$0x3FB9] =	sst s10  }
0x32: {  	s10 =	sld [smem:$0x3FB7];
	_ =	sdelay $0x3  }
0x33: {  	p0 =	seq.s32 s10, $0x1;
	s10 =	sld [smem:$0x3FB9];
	_ =	sdelay $0x3  }
0x34: {  	[smem:$0x3FB9] =	sst s10  }
0x35: {  	s10 =	sld [smem:$0x3FB8];
	_ =	sdelay $0x3  }
0x36: {  	p1 =	seq.s32 s10, $0x1;
	s10 =	sld [smem:$0x3FB9];
	_ =	sdelay $0x3  }
0x37: {  	[smem:$0x3FB9] =	sst s10  }
0x38: {  	s10 =	sld [smem:$0x3FBA]  }
0x39: {  	_ = 	snop;
	(pc) =	sbr.ind lr, $3  }
0x3a: {  	_ = 	snop  }
0x3b: {  	_ = 	snop  }
0x3c: {  	p2 =	seq.s32 s10, $0x1;
	s10 =	sld [smem:$0x3FB9]  }
0x3d: {  	_ =	shalt  }
0x3e: {  	_ =	shalt  }
0x3f: {  	_ =	shalt  }
0x40: {  	_ =	shalt  }
0x41: {  	_ =	shalt  }
0x42: {  	_ =	shalt  }
0x43: {  	_ =	shalt  }
0x44: {  	_ =	shalt  }
0x45: {  	_ =	shalt  }
0x46: {  	_ =	shalt  }
0x47: {  	_ =	shalt  }
0x48: {  	_ =	shalt  }
0x49: {  	_ =	shalt  }
0x4a: {  	_ =	shalt  }
0x4b: {  	_ =	shalt  }
0x4c: {  	_ =	shalt  }
0x4d: {  	_ =	shalt  }
0x4e: {  	_ =	shalt  }
0x4f: {  	_ =	shalt  }
0x50: {  	_ =	shalt  }
0x51: {  	_ =	shalt  }
0x52: {  	_ =	shalt  }
0x53: {  	_ =	shalt  }
0x54: {  	_ =	shalt  }
0x55: {  	_ =	shalt  }
0x56: {  	_ =	shalt  }
0x57: {  	_ =	shalt  }
0x58: {  	_ =	shalt  }
0x59: {  	_ =	shalt  }
0x5a: {  	_ =	shalt  }
0x5b: {  	_ =	shalt  }
0x5c: {  	_ =	shalt  }
0x5d: {  	_ =	shalt  }
0x5e: {  	_ =	shalt  }
0x5f: {  	_ =	shalt  }
0x60: {  	_ =	shalt  }
0x61: {  	_ =	shalt  }
0x62: {  	_ =	shalt  }
0x63: {  	_ =	shalt  }
0x64: {  	_ =	shalt  }
0x65: {  	_ =	shalt  }
0x66: {  	_ =	shalt  }
0x67: {  	_ =	shalt  }
0x68: {  	_ =	shalt  }
0x69: {  	_ =	shalt  }
0x6a: {  	_ =	shalt  }
0x6b: {  	_ =	shalt  }
0x6c: {  	_ =	shalt  }
0x6d: {  	_ =	shalt  }
0x6e: {  	_ =	shalt  }
0x6f: {  	_ =	shalt  }
0x70: {  	_ =	shalt  }
0x71: {  	_ =	shalt  }
0x72: {  	_ =	shalt  }
0x73: {  	_ =	shalt  }
0x74: {  	_ =	shalt  }
0x75: {  	_ =	shalt  }
0x76: {  	_ =	shalt  }
0x77: {  	_ =	shalt  }
0x78: {  	_ =	shalt  }
0x79: {  	_ =	shalt  }
0x7a: {  	_ =	shalt  }
0x7b: {  	_ =	shalt  }
0x7c: {  	_ =	shalt  }
0x7d: {  	_ =	shalt  }
0x7e: {  	_ =	shalt  }
0x7f: {  	_ =	shalt  }
0x80: {  	_ =	shalt  }
0x81: {  	_ =	shalt  }
0x82: {  	_ =	shalt  }
0x83: {  	_ =	shalt  }
0x84: {  	_ =	shalt  }
0x85: {  	_ =	shalt  }
0x86: {  	_ =	shalt  }
0x87: {  	_ =	shalt  }
.Lfunc_end0:
.L_simem_size_0:
called_computation_lowered:
.L_overlay_start_0:
0x88: {  	s2 =	sld [smem:$0x3FD9]  }
0x89: {  	s3 =	sld [smem:$0x3FFE];
	_ =	sdelay $0x1  }
0x8a: {  	s1 =	srdreg.scid  }
0x8b: {  	s0 =	sand.u32 $0x1, s1  }
0x8c: {  	s14 =	sshll.u32 s0, $0xA;
	s2 =	sadd.s32 s3, s2  }
0x8d: {  	s2 =	sadd.s32 s2, s14  }
0x8e: {  	[smem:$0x3FC5] =	sst s2  }
0x8f: {  	_ = 	snop  }
0x90: {  	s2 =	sld [smem:$0x3FD0];
	_ =	sdelay $0x2  }
0x91: {  	s15 =	simm.s32 $0xA;
	s4 =	simm.s32 $0x10  }
0x92: {  	[smem:s4], [sflag:s15] =	dma.local [hbm:s2], $0x1  }
0x93: {  	_ =	swait.eq [sflag:s15], $0x1  }
0x94: {  	[sflag:s15] =	ssyncset.done $0x0  }
0x95: {  	[sflag:s15] =	ssyncadd.s32 $0xFFFFFFFF  }
0x96: {  	s16 =	sld [smem:$0x10];
	(tm) =	ssettm $0x1  }
0x97: {  	s17 =	sld [smem:$0x3FFB];
	_ =	sdelay $0x3  }
0x98: {  	_ =	strace s17  }
0x99: {  	s3 =	sld [smem:$0x3FFC];
	_ =	sdelay $0x3  }
0x9a: {  	_ =	strace s3  }
0x9b: {  	s3 =	sld [smem:$0x3FFD];
	_ =	sdelay $0x3  }
0x9c: {  	_ =	strace s3  }
0x9d: {  	_ =	strace $0x8FFFFFFF  }
0x9e: {  	s18 =	sld [smem:$0x3FDB];
	_ =	sdelay $0x1  }
0x9f: {  	s19 =	simm.s32 $_scs_section_size  }
0xa0: {  	s5 =	simm.s32 $_size__tile_overlayer_lowered;
	s6 =	simm.s32 $_tile_overlayer_lowered  }
0xa1: {  	s22 =	simm.s32 $0x1BFF;
	s21 =	sshll.u32 s6, $0x1;
	s3 =	sadd.s32 s19, s18  }
0xa2: {  	s7 =	simm.s32 $0x0;
	s20 =	sshll.u32 s5, $0x1;
	s5 =	sadd.s32 s21, s3  }
0xa3: {  	[timem:s7], [sflag:s22] =	dma.local [hbm:s5], s20  }
0xa4: {  	_ =	swait.ge [sflag:s22], s20  }
0xa5: {  	s4 =	ssub.s32 $0x0, s20;
	[sflag:s22] =	ssyncset.done $0x0  }
0xa6: {  	[sflag:s22] =	ssyncadd.s32 s4;
	_ =	sdelay $0x1  }
0xa7: {  	s23 =	simm.s32 $0x1B8B  }
0xa8: {  	_ =	swait.ge [sflag:s23], $0x1  }
0xa9: {  	[sflag:s23] =	ssyncset.done $0x0  }
0xaa: {  	s25 =	simm.s32 $0x1B8E;
	s24 =	sld [smem:$0x3FFE];
	[sflag:s23] =	ssyncadd.s32 $0xFFFFFFFF  }
0xab: {  	s26 =	simm.s32 $execute0_lowered;
	[smem:$0x3FD2] =	sst s25  }
0xac: {  	s5 =	sshll.u32 s26, $0x1;
	_ =	strace $0x80000046;
	[dreg:$0x1] =	wrdreg $0xFFFFFFFF  }
0xad: {  	s28 =	simm.s32 $_size_execute0_lowered;
	s3 =	sadd.s32 s3, s5;
	[dreg:$0x0] =	wrdreg $0x0  }
0xae: {  	s5 =	sshll.u32 s28, $0x1;
	[dreg:$0x2] =	wrdreg s3  }
0xaf: {  	[dreg:$0x3] =	wrdreg s5  }
0xb0: {  	[dreg:$0x4] =	wrdreg $0xC0  }
0xb1: {  	_ =	task [dreg:s7], $0x5FFFF  }
0xb2: {  	[dreg:$0x1] =	wrdreg $0xFFFFFFFF  }
0xb3: {  	[dreg:$0x0] =	wrdreg $0x60  }
0xb4: {  	[dreg:$0x2] =	wrdreg s16  }
0xb5: {  	[dreg:$0x3] =	wrdreg s24  }
0xb6: {  	[dreg:$0x4] =	wrdreg $0x9  }
0xb7: {  	_ =	task.clear_ibuf [dreg:s7], $0x5FFFF;
	_ =	strace $0x90000046  }
0xb8: {  	s29 =	simm.s32 $0x9;
	_ =	strace $0x80000048  }
0xb9: {  	_ =	swait.ge [sflag:s29], $0x1  }
0xba: {  	[sflag:s29] =	ssyncadd.s32 $0xFFFFFFFF  }
0xbb: {  	_ =	strace $0x90000048  }
0xbc: {  	_ =	sfence  }
0xbd: {  	s30 =	sld [smem:$0x0];
	_ =	sdelay $0x2  }
0xbe: {  	s31 =	sshll.u32 s1, $0xD;
	s1 =	sshrl.u32 s1, $0x2  }
0xbf: {  	s3 =	sand.u32 $0x4000, s31;
	s1 =	sadd.s32 s1, s30  }
0xc0: {  	s0 =	sor.u32 s3, s0;
	s1 =	sshll.u32 s1, $0x11  }
0xc1: {  	s0 =	sor.u32 s1, s0  }
0xc2: {  	s0 =	sadd.s32 $0x8F2B, s0  }
0xc3: {  	[sflag:s0] =	ssyncadd.remote.s32 $0x1  }
0xc4: {  	_ =	sfence.sel $0xFFFF  }
0xc5: {  	[dreg:$0x0] =	wrdreg $0xFFFFFFFF;
	(pc) =	sbr.abs _section_cstart, $3  }
0xc6: {  	[dreg:$0x1] =	wrdreg $0xFFFFFFFF  }
0xc7: {  	_ =	task.clear_ibuf [dreg:s7], $0x2FFFF;
	_ =	strace $0x9FFFFFFF  }
0xc8: {  	(tm) =	ssettm $0x7FFFFFFF  }
0xc9: {  	_ =	shalt  }
tec
execute0_lowered:
.L_overlay_start_1:
0x0: {  	(tag) =	ssettag $0x1  }
0x1: {  	s1 =	rddreg [dreg:$0x0]  }
0x2: {  	s4 =	rddreg [dreg:$0x1]  }
0x3: {  	s0 =	rddreg [dreg:$0x2];
	s5 =	srdreg.scid  }
0x4: {  	s3 =	simm.s32 $0x0;
	s2 =	stileid.u32;
	s9 =	simm.s32 $0x100  }
0x5: {  	s10 =	simm.s32 $0x2100;
	s11 =	simm.s32 $0x1;
	s5 =	sand.u32 $0x1, s5  }
0x6: {  	[smem:$0x7FF] =	sst s3;
	s6 =	sshll.u32 s2, $0x9;
	s7 =	sshll.u32 s5, $0x8  }
0x7: {  	s12 =	simm.s32 $0x0;
	_ =	strace $0x80000047;
	s6 =	sor.u32 s7, s6  }
0x8: {  	s5 =	ssub.s32 $0x2, s5;
	s7 =	sshrl.u32 s6, $0x3;
	s6 =	sshll.u32 s6, $0x2  }
0x9: {  	s8 =	sshrl.u32 s5, $0x1;
	s7 =	sadd.s32 s7, s4;
	s6 =	sadd.s32 s6, s4  }
0xa: {  	s8 =	ssub.s32 s5, s8;
	s4 =	sadd.s32 $0x8A00, s7;
	s5 =	sadd.s32 $0xA00, s6  }
0xb: {  	s6 =	sadd.s32 $0x8E00, s6;
	s7 =	smax.u32 s8, $0x1;
	s8 =	simm.s32 $0x2  }
.LBB2_1:
0xc: {  	[tilespmem:s3], [sflag:$0x2] =	stream.linear.gather [hbm4b:s4+s3], $0x100, $0x38;
	[tilespmem:$0x4100] =	vst v63  }
0xd: {  	_ =	swait.ge [sflag:s8], $0x100  }
0xe: {  	[sflag:s8] =	ssyncset.done $0x0  }
0xf: {  	[sflag:s8] =	ssyncadd.s32 $0xFFFFFF00  }
0x10: {  	[tilespmem:s9], [sflag:$0x1] =	stream.indirect.gather [hbm4b:s1+s9], $0x20, s3, s9, $0xb8;
	[tilespmem:$0x4100] =	vst v63  }
0x11: {  	_ = 	snop  }
0x12: {  	[tilespmem:s10], [sflag:$0x2] =	stream.linear.gather [hbm4b:s5+s3], $0x2000, $0x38;
	[tilespmem:$0x4100] =	vst v63  }
0x13: {  	_ =	swait.ge [sflag:s8], $0x2000  }
0x14: {  	[sflag:s8] =	ssyncset.done $0x0  }
0x15: {  	[sflag:s8] =	ssyncadd.s32 $0xFFFFE000  }
0x16: {  	_ =	swait.ge [sflag:s11], $0x2000  }
0x17: {  	[sflag:s11] =	ssyncset.done $0x0  }
0x18: {  	s13 =	simm.s32 $0x0;
	[sflag:s11] =	ssyncadd.s32 $0xFFFFE000  }
0x19: {  	v0 =	vld [tilespmem:s13+$0x2100]  }
0x1a: {  	v1 =	vld [tilespmem:s13+$0x2110]  }
0x1b: {  	s14 =	simm.s32 $0x80;
	v2 =	vld [tilespmem:s13+$0x100]  }
.LBB2_2:
0x1c: {  	p0 =	sne.s32 s14, $0x7F80;
	v3 =	vld [tilespmem:s13+$0x110];
	_ =	sdelay $0x3  }
0x1d: {  	v2 =	vsub.f32 v2, v0  }
.Ltmp0:
0x1e: {  	v3 =	vsub.f32 v3, v1;
	(pc) =	sbr.rel @p0 .LBB2_2-.Ltmp0, $4  }
0x1f: {  	s15 =	sshra.s32 s14, $0x2;
	v2 =	vadd.f32 v2, v0  }
0x20: {  	v0 =	vld [tilespmem:s15+$0x2100];
	v3 =	vadd.f32 v3, v1  }
0x21: {  	v1 =	vld [tilespmem:s15+$0x2110];
	[tilespmem:s13+$0x100] =	vst v2  }
0x22: {  	s14 =	sadd.s32 $0x80, s14;
	v2 =	vld [tilespmem:s15+$0x100];
	[tilespmem:s13+$0x110] =	vst v3;
	s13 =	smov.u32 s15  }
0x23: {  	v3 =	vld [tilespmem:s13+$0x110];
	_ =	sdelay $0x3  }
0x24: {  	v2 =	vsub.f32 v2, v0  }
0x25: {  	v3 =	vsub.f32 v3, v1  }
0x26: {  	v0 =	vadd.f32 v2, v0  }
0x27: {  	s12 =	sadd.s32 $0x1, s12;
	v1 =	vadd.f32 v3, v1  }
0x28: {  	p0 =	sne.s32 s12, s7;
	[tilespmem:s13+$0x100] =	vst v0  }
.Ltmp1:
0x29: {  	[tilespmem:s13+$0x110] =	vst v1;
	(pc) =	sbr.rel @p0 .LBB2_1-.Ltmp1, $4  }
0x2a: {  	[hbm4b:s6+s3] =	stream.linear.scatter [tilespmem:s9], [sflag:$0x2], $0x2000, $0x38;
	[tilespmem:$0x4100] =	vst v63  }
0x2b: {  	_ =	swait.ge [sflag:s8], $0x2000  }
0x2c: {  	[sflag:s8] =	ssyncset.done $0x0  }
0x2d: {  	[sflag:s8] =	ssyncadd.s32 $0xFFFFE000  }
0x2e: {  	_ =	sfence.sel $0x180000  }
0x2f: {  	[bflag:$0x0] =	sbarrier.arrive $0xFFFF  }
0x30: {  	p0 =	sne.s32 s2, $0x0;
	_ =	strace $0x90000047  }
0x31: {  	s0 =	sadd.s32 @!p0 $0x100000, s0;
	[bflag:$0x2] =	sbarrier.arrive $0xFFFF  }
0x32: {  	[sflag:s0] =	ssyncadd.tile.s32 @!p0 $0x1;
	_ =	shalt  }
.Lfunc_end2:
_tile_overlayer_lowered:
.L_overlay_start_2:
0x33: {  	(tag) =	ssettag $0x2  }
0x34: {  	s0 =	rddreg [dreg:$0x0];
	s2 =	stileid.u32  }
0x35: {  	s1 =	rddreg [dreg:$0x1];
	p0 =	sne.s32 s2, $0x0  }
0x36: {  	s3 =	rddreg [dreg:$0x2];
	[bflag:$0x3] =	sbarrier.arrive $0xFFFF;
	s2 =	simm.s32 @!p0 $0x1C02  }
0x37: {  	[timem:s3], [sflag:s2] =	dma.local @!p0 [hbm:s0], s1  }
0x38: {  	s0 =	simm.s32 @!p0 $0x2  }
0x39: {  	_ =	swait.ge @!p0 [sflag:s0], s1  }
0x3a: {  	s1 =	ssub.s32 @!p0 $0x0, s1;
	[sflag:s0] =	ssyncset.done @!p0 $0x0  }
0x3b: {  	[sflag:s0] =	ssyncadd.s32 @!p0 s1  }
0x3c: {  	[bflag:$0x3] =	sbarrier.arrive $0xFFFF  }
0x3d: {  	_ =	shalt  }

</sc_bundles>
